<compile_context>
chip_gen: v7x
topology: tpu7x:2x2x1
jax: 0.10.2.dev20260603
libtpu: 0.0.44.dev20260713+nightly
codegen_flags: <defaults>
</compile_context>

<pallas_src>
import functools

import jax
import jax.numpy as jnp
from jax import lax
from jax.experimental import pallas as pl
from jax.experimental.pallas import tpu as pltpu
from jax.experimental.pallas import tpu_sc as plsc

NC = 2
NS = 16
NW = NC * NS

FEAT = 64
CH = 128
GROUP = 4


def _sc_gather_pairs(idx, table2, n_rows):
    nchunk = idx.shape[1]
    ngroup = nchunk // GROUP
    b_per_w = nchunk * CH
    mesh = plsc.VectorSubcoreMesh(core_axis_name="c", subcore_axis_name="s")

    @functools.partial(
        pl.kernel,
        mesh=mesh,
        compiler_params=pltpu.CompilerParams(use_tc_tiling_on_sc=True),
        out_type=jax.ShapeDtypeStruct((n_rows, 2 * FEAT), jnp.float32),
        scratch_types=[
            pltpu.VMEM((nchunk, CH), jnp.int32),
            pltpu.VMEM((GROUP, CH, 2 * FEAT), jnp.float32),
            pltpu.SemaphoreType.DMA,
            pltpu.SemaphoreType.DMA,
        ],
    )
    def gather_kernel(idx_hbm, table_hbm, out_hbm, idx_v, rows_v, sem_g, sem_s):
        wid = lax.axis_index("s") * NC + lax.axis_index("c")
        base = wid * b_per_w
        pltpu.sync_copy(idx_hbm.at[wid], idx_v)

        def group_body(g, carry):
            c0 = g * GROUP
            for b in range(GROUP):
                pltpu.async_copy(
                    table_hbm.at[idx_v.at[c0 + b]], rows_v.at[b], sem_g)
            for b in range(GROUP):
                pltpu.make_async_copy(
                    table_hbm.at[idx_v.at[c0 + b]], rows_v.at[b], sem_g).wait()
                pltpu.async_copy(
                    rows_v.at[b],
                    out_hbm.at[pl.ds(base + (c0 + b) * CH, CH)], sem_s)
            for b in range(GROUP):
                pltpu.make_async_copy(
                    rows_v.at[b],
                    out_hbm.at[pl.ds(base + (c0 + b) * CH, CH)], sem_s).wait()
            return carry

        lax.fori_loop(0, ngroup, group_body, 0)

    return gather_kernel(idx, table2)


def _fold_table(table_t, vocab):
    bn = 2048
    grid = (vocab + bn - 1) // bn

    def fold_kernel(i_ref, o_ref):
        tt = i_ref[...].T
        t3 = tt.reshape(bn // 16, 16, FEAT)
        cat = jnp.concatenate([t3[:, 0:8, :], t3[:, 8:16, :]], axis=2)
        o_ref[...] = cat.reshape(bn // 2, 2 * FEAT)

    return pl.pallas_call(
        fold_kernel,
        grid=(grid,),
        in_specs=[pl.BlockSpec((FEAT, bn), lambda j: (0, j))],
        out_specs=pl.BlockSpec((bn // 2, 2 * FEAT), lambda j: (j, 0)),
        out_shape=jax.ShapeDtypeStruct((vocab // 2, 2 * FEAT), jnp.float32),
    )(table_t)


def _dense_head_t(emb2, par, W, b, hist, batch):
    out_dim = W.shape[1]
    bn = 2048
    nb = batch // bn

    def mm_kernel(e_ref, p_ref, wlo_ref, whi_ref, b_ref, o_ref):
        acc_lo = lax.dot_general(
            wlo_ref[...], e_ref[...],
            dimension_numbers=(((0,), (1,)), ((), ())),
            preferred_element_type=jnp.float32)
        acc_hi = lax.dot_general(
            whi_ref[...], e_ref[...],
            dimension_numbers=(((0,), (1,)), ((), ())),
            preferred_element_type=jnp.float32)
        sel = jnp.where(p_ref[0] != 0.0, acc_hi, acc_lo)
        o_ref[0] = sel + b_ref[...]

    return pl.pallas_call(
        mm_kernel,
        grid=(hist, nb),
        in_specs=[
            pl.BlockSpec((bn, 2 * FEAT), lambda l, j: (l * nb + j, 0)),
            pl.BlockSpec((1, 1, bn), lambda l, j: (l, 0, j)),
            pl.BlockSpec((2 * FEAT, out_dim), lambda l, j: (0, 0)),
            pl.BlockSpec((2 * FEAT, out_dim), lambda l, j: (0, 0)),
            pl.BlockSpec((out_dim, 1), lambda l, j: (0, 0)),
        ],
        out_specs=pl.BlockSpec((1, out_dim, bn), lambda l, j: (l, 0, j)),
        out_shape=jax.ShapeDtypeStruct((hist, out_dim, batch), jnp.float32),
    )(emb2, par.reshape(hist, 1, batch), *_interleaved_ws(W), b.reshape(out_dim, 1))


def _interleaved_ws(W):
    wz = jnp.zeros_like(W)
    w_lo = jnp.concatenate([W, wz], axis=0)
    w_hi = jnp.concatenate([wz, W], axis=0)
    return w_lo, w_hi


def kernel(x, table, W, b):
    batch, hist = x.shape
    n_rows = batch * hist
    xt = x.T.astype(jnp.int32)
    idx = (((xt >> 4) << 3) | (xt & 7)).reshape(NW, n_rows // (NW * CH), CH)
    par = ((xt >> 3) & 1).astype(jnp.float32)
    table2 = _fold_table(table.T, table.shape[0])
    emb2 = _sc_gather_pairs(idx, table2, n_rows)
    out_t = _dense_head_t(emb2, par, W, b, hist, batch)
    return out_t.transpose(2, 0, 1)

# --- scband reference (transcript-rebuilt; emitter-appended) ---
"""Pipeline reference for scband-featurized-model-embedding-43147241456100 (READ-ONLY COPY).

The authoritative reference and input builder live on the scoring server;
editing this copy changes nothing except your own understanding.
"""

import jax, jax.numpy as jnp
import numpy as np

VOCAB = 1000000
FEAT_DIM = 64
OUT_DIM = 64
BATCH = 16384
HIST = 20

def setup_inputs(seed: int = 0) -> dict:
    key = jax.random.key(seed)
    k_idx, k_tab, k_w, k_b = jax.random.split(key, 4)
    x = jax.random.randint(k_idx, (BATCH, HIST), 0, VOCAB, dtype=jnp.int64 if jax.config.jax_enable_x64 else jnp.int32)
    # featurized (pretrained, frozen-style) input embedding table; in_manifold.proj_ is
    # modeled as L2 row-normalization (a common manifold projection onto the sphere)
    table = jax.random.normal(k_tab, (VOCAB, FEAT_DIM), dtype=jnp.float32)
    table = table / (jnp.linalg.norm(table, axis=-1, keepdims=True) + 1e-12)
    # embedding_model: a small dense head mapping featurizer_dim -> model_out_dim
    W = jax.random.normal(k_w, (FEAT_DIM, OUT_DIM), dtype=jnp.float32) * (1.0 / np.sqrt(FEAT_DIM))
    b = jnp.zeros((OUT_DIM,), dtype=jnp.float32)
    return {"x": x, "table": table, "W": W, "b": b}

def reference(x, table, W, b):
    # forward: self.embedding_model(self.input_embedding(x))
    emb = jnp.take(table, x, axis=0)          # gather: [B, L, FEAT_DIM]
    out = jnp.einsum('bld,do->blo', emb, W) + b  # embedding_model (dense head)
    return out

if __name__ == "__main__":
    import jax
    _d = setup_inputs()
    print(jax.jit(kernel)(*tuple(_d.values())))

</pallas_src>

<mosaic_0001>
#map = affine_map<(d0, d1) -> (0, 0, 0)>
#map1 = affine_map<(d0, d1) -> (0, 0)>
module attributes {stable_mosaic.version = 14 : i64} {
  func.func @gather_kernel(%arg0: i32, %arg1: i32, %arg2: memref<32x80x128xi32, #tpu.memory_space<hbm>>, %arg3: memref<500000x128xf32, #tpu.memory_space<hbm>>, %arg4: memref<327680x128xf32, #tpu.memory_space<hbm>>, %arg5: memref<80x128xi32, #tpu.memory_space<vmem>>, %arg6: memref<4x128x128xf32, #tpu.memory_space<vmem>>, %arg7: memref<!tpu.dma_semaphore, #tpu.memory_space<semaphore_mem>>, %arg8: memref<!tpu.dma_semaphore, #tpu.memory_space<semaphore_mem>>) attributes {dimension_semantics = [#tpu.dimension_semantics<core_parallel>, #tpu.dimension_semantics<subcore_parallel>], iteration_bounds = array<i64: 2, 16>, scalar_prefetch = 0 : i64, scratch_operands = 4 : i64, tpu.core_type = #tpu.core_type<sc_vector_subcore>, window_params = [{transform_indices = #map}, {transform_indices = #map1}, {transform_indices = #map1}]} {
    %mul3A = arith.constant 2 : i32
    %mul3A_0 = arith.muli %arg1, %mul3A : i32
    %add3A = arith.addi %mul3A_0, %arg0 : i32
    %mul3A_1 = arith.constant 10240 : i32
    %mul3A_2 = arith.muli %add3A, %mul3A_1 : i32
    "tpu.region"() ({
      %run_scoped3A = tpu.sem_alloc : memref<!tpu.dma_semaphore, #tpu.memory_space<semaphore_mem>>
      %dma_start3A = arith.constant 0 : i32
      %dma_start3A_8 = arith.constant 0 : i32
      %dma_start3A_9 = tpu.memref_slice %arg2[%add3A, %dma_start3A, %dma_start3A_8] : memref<32x80x128xi32, #tpu.memory_space<hbm>> -> memref<1x80x128xi32, #tpu.memory_space<hbm>>
      %dma_start3A_10 = tpu.memref_squeeze %dma_start3A_9 : memref<1x80x128xi32, #tpu.memory_space<hbm>> -> memref<80x128xi32, #tpu.memory_space<hbm>>
      %dma_start3A_11 = arith.constant 0 : i32
      %dma_start3A_12 = arith.constant 0 : i32
      %dma_start3A_13 = tpu.memref_slice %arg2[%add3A, %dma_start3A_11, %dma_start3A_12] : memref<32x80x128xi32, #tpu.memory_space<hbm>> -> memref<1x80x128xi32, #tpu.memory_space<hbm>>
      %dma_start3A_14 = tpu.memref_squeeze %dma_start3A_13 : memref<1x80x128xi32, #tpu.memory_space<hbm>> -> memref<80x128xi32, #tpu.memory_space<hbm>>
      tpu.enqueue_dma source(%dma_start3A_14 : memref<80x128xi32, #tpu.memory_space<hbm>>) target(%arg5 : memref<80x128xi32, #tpu.memory_space<vmem>>) target_semaphore(%run_scoped3A : memref<!tpu.dma_semaphore, #tpu.memory_space<semaphore_mem>>)
      %dma_wait3A = arith.constant 0 : i32
      %dma_wait3A_15 = arith.constant 0 : i32
      %dma_wait3A_16 = tpu.memref_slice %arg2[%add3A, %dma_wait3A, %dma_wait3A_15] : memref<32x80x128xi32, #tpu.memory_space<hbm>> -> memref<1x80x128xi32, #tpu.memory_space<hbm>>
      %dma_wait3A_17 = tpu.memref_squeeze %dma_wait3A_16 : memref<1x80x128xi32, #tpu.memory_space<hbm>> -> memref<80x128xi32, #tpu.memory_space<hbm>>
      %dma_wait3A_18 = arith.constant 0 : i32
      %dma_wait3A_19 = arith.constant 0 : i32
      %dma_wait3A_20 = tpu.memref_slice %arg2[%add3A, %dma_wait3A_18, %dma_wait3A_19] : memref<32x80x128xi32, #tpu.memory_space<hbm>> -> memref<1x80x128xi32, #tpu.memory_space<hbm>>
      %dma_wait3A_21 = tpu.memref_squeeze %dma_wait3A_20 : memref<1x80x128xi32, #tpu.memory_space<hbm>> -> memref<80x128xi32, #tpu.memory_space<hbm>>
      tpu.wait_dma2 semaphore(%run_scoped3A : memref<!tpu.dma_semaphore, #tpu.memory_space<semaphore_mem>>) src(%dma_wait3A_21 : memref<80x128xi32, #tpu.memory_space<hbm>>) dst(%arg5 : memref<80x128xi32, #tpu.memory_space<vmem>>)
      tpu.yield
    }) : () -> ()
    %scan3A = arith.constant 0 : i32
    %scan3A_3 = arith.constant 0 : i32
    %scan3A_4 = arith.constant 20 : i32
    %scan3A_5 = arith.addi %scan3A_3, %scan3A_4 : i32
    %scan3A_6 = arith.constant 1 : i32
    scf.for %scan3A_8 = %scan3A_3 to %scan3A_5 step %scan3A_6  : i32 {
      %mul3A_9 = arith.constant 4 : i32
      %mul3A_10 = arith.muli %scan3A_8, %mul3A_9 : i32
      %add3A_11 = arith.constant 0 : i32
      %add3A_12 = arith.addi %mul3A_10, %add3A_11 : i32
      %dma_start3A = arith.constant 0 : i32
      %dma_start3A_13 = arith.constant 0 : i32
      %dma_start3A_14 = arith.constant 0 : i32
      %dma_start3A_15 = tpu.memref_slice %arg6[%dma_start3A, %dma_start3A_13, %dma_start3A_14] : memref<4x128x128xf32, #tpu.memory_space<vmem>> -> memref<1x128x128xf32, #tpu.memory_space<vmem>>
      %dma_start3A_16 = tpu.memref_squeeze %dma_start3A_15 : memref<1x128x128xf32, #tpu.memory_space<vmem>> -> memref<128x128xf32, #tpu.memory_space<vmem>>
      %dma_start3A_17 = arith.constant 0 : i32
      %dma_start3A_18 = tpu.memref_slice %arg5[%add3A_12, %dma_start3A_17] : memref<80x128xi32, #tpu.memory_space<vmem>> -> memref<1x128xi32, #tpu.memory_space<vmem>>
      %dma_start3A_19 = tpu.memref_squeeze %dma_start3A_18 : memref<1x128xi32, #tpu.memory_space<vmem>> -> memref<128xi32, #tpu.memory_space<vmem>>
      %dma_start3A_20 = arith.constant 0 : i32
      %dma_start3A_21 = arith.constant 0 : i32
      %dma_start3A_22 = tpu.memref_slice %arg3[%dma_start3A_20, %dma_start3A_21] : memref<500000x128xf32, #tpu.memory_space<hbm>> -> memref<500000x128xf32, #tpu.memory_space<hbm>>
      tpu.enqueue_indirect_dma source(%dma_start3A_22 : memref<500000x128xf32, #tpu.memory_space<hbm>>) target(%dma_start3A_16 : memref<128x128xf32, #tpu.memory_space<vmem>>) offsets(%dma_start3A_19 : memref<128xi32, #tpu.memory_space<vmem>>) semaphore(%arg7 : memref<!tpu.dma_semaphore, #tpu.memory_space<semaphore_mem>>)
      %add3A_23 = arith.constant 1 : i32
      %add3A_24 = arith.addi %mul3A_10, %add3A_23 : i32
      %dma_start3A_25 = arith.constant 1 : i32
      %dma_start3A_26 = arith.constant 0 : i32
      %dma_start3A_27 = arith.constant 0 : i32
      %dma_start3A_28 = tpu.memref_slice %arg6[%dma_start3A_25, %dma_start3A_26, %dma_start3A_27] : memref<4x128x128xf32, #tpu.memory_space<vmem>> -> memref<1x128x128xf32, #tpu.memory_space<vmem>>
      %dma_start3A_29 = tpu.memref_squeeze %dma_start3A_28 : memref<1x128x128xf32, #tpu.memory_space<vmem>> -> memref<128x128xf32, #tpu.memory_space<vmem>>
      %dma_start3A_30 = arith.constant 0 : i32
      %dma_start3A_31 = tpu.memref_slice %arg5[%add3A_24, %dma_start3A_30] : memref<80x128xi32, #tpu.memory_space<vmem>> -> memref<1x128xi32, #tpu.memory_space<vmem>>
      %dma_start3A_32 = tpu.memref_squeeze %dma_start3A_31 : memref<1x128xi32, #tpu.memory_space<vmem>> -> memref<128xi32, #tpu.memory_space<vmem>>
      %dma_start3A_33 = arith.constant 0 : i32
      %dma_start3A_34 = arith.constant 0 : i32
      %dma_start3A_35 = tpu.memref_slice %arg3[%dma_start3A_33, %dma_start3A_34] : memref<500000x128xf32, #tpu.memory_space<hbm>> -> memref<500000x128xf32, #tpu.memory_space<hbm>>
      tpu.enqueue_indirect_dma source(%dma_start3A_35 : memref<500000x128xf32, #tpu.memory_space<hbm>>) target(%dma_start3A_29 : memref<128x128xf32, #tpu.memory_space<vmem>>) offsets(%dma_start3A_32 : memref<128xi32, #tpu.memory_space<vmem>>) semaphore(%arg7 : memref<!tpu.dma_semaphore, #tpu.memory_space<semaphore_mem>>)
      %add3A_36 = arith.constant 2 : i32
      %add3A_37 = arith.addi %mul3A_10, %add3A_36 : i32
      %dma_start3A_38 = arith.constant 2 : i32
      %dma_start3A_39 = arith.constant 0 : i32
      %dma_start3A_40 = arith.constant 0 : i32
      %dma_start3A_41 = tpu.memref_slice %arg6[%dma_start3A_38, %dma_start3A_39, %dma_start3A_40] : memref<4x128x128xf32, #tpu.memory_space<vmem>> -> memref<1x128x128xf32, #tpu.memory_space<vmem>>
      %dma_start3A_42 = tpu.memref_squeeze %dma_start3A_41 : memref<1x128x128xf32, #tpu.memory_space<vmem>> -> memref<128x128xf32, #tpu.memory_space<vmem>>
      %dma_start3A_43 = arith.constant 0 : i32
      %dma_start3A_44 = tpu.memref_slice %arg5[%add3A_37, %dma_start3A_43] : memref<80x128xi32, #tpu.memory_space<vmem>> -> memref<1x128xi32, #tpu.memory_space<vmem>>
      %dma_start3A_45 = tpu.memref_squeeze %dma_start3A_44 : memref<1x128xi32, #tpu.memory_space<vmem>> -> memref<128xi32, #tpu.memory_space<vmem>>
      %dma_start3A_46 = arith.constant 0 : i32
      %dma_start3A_47 = arith.constant 0 : i32
      %dma_start3A_48 = tpu.memref_slice %arg3[%dma_start3A_46, %dma_start3A_47] : memref<500000x128xf32, #tpu.memory_space<hbm>> -> memref<500000x128xf32, #tpu.memory_space<hbm>>
      tpu.enqueue_indirect_dma source(%dma_start3A_48 : memref<500000x128xf32, #tpu.memory_space<hbm>>) target(%dma_start3A_42 : memref<128x128xf32, #tpu.memory_space<vmem>>) offsets(%dma_start3A_45 : memref<128xi32, #tpu.memory_space<vmem>>) semaphore(%arg7 : memref<!tpu.dma_semaphore, #tpu.memory_space<semaphore_mem>>)
      %add3A_49 = arith.constant 3 : i32
      %add3A_50 = arith.addi %mul3A_10, %add3A_49 : i32
      %dma_start3A_51 = arith.constant 3 : i32
      %dma_start3A_52 = arith.constant 0 : i32
      %dma_start3A_53 = arith.constant 0 : i32
      %dma_start3A_54 = tpu.memref_slice %arg6[%dma_start3A_51, %dma_start3A_52, %dma_start3A_53] : memref<4x128x128xf32, #tpu.memory_space<vmem>> -> memref<1x128x128xf32, #tpu.memory_space<vmem>>
      %dma_start3A_55 = tpu.memref_squeeze %dma_start3A_54 : memref<1x128x128xf32, #tpu.memory_space<vmem>> -> memref<128x128xf32, #tpu.memory_space<vmem>>
      %dma_start3A_56 = arith.constant 0 : i32
      %dma_start3A_57 = tpu.memref_slice %arg5[%add3A_50, %dma_start3A_56] : memref<80x128xi32, #tpu.memory_space<vmem>> -> memref<1x128xi32, #tpu.memory_space<vmem>>
      %dma_start3A_58 = tpu.memref_squeeze %dma_start3A_57 : memref<1x128xi32, #tpu.memory_space<vmem>> -> memref<128xi32, #tpu.memory_space<vmem>>
      %dma_start3A_59 = arith.constant 0 : i32
      %dma_start3A_60 = arith.constant 0 : i32
      %dma_start3A_61 = tpu.memref_slice %arg3[%dma_start3A_59, %dma_start3A_60] : memref<500000x128xf32, #tpu.memory_space<hbm>> -> memref<500000x128xf32, #tpu.memory_space<hbm>>
      tpu.enqueue_indirect_dma source(%dma_start3A_61 : memref<500000x128xf32, #tpu.memory_space<hbm>>) target(%dma_start3A_55 : memref<128x128xf32, #tpu.memory_space<vmem>>) offsets(%dma_start3A_58 : memref<128xi32, #tpu.memory_space<vmem>>) semaphore(%arg7 : memref<!tpu.dma_semaphore, #tpu.memory_space<semaphore_mem>>)
      %add3A_62 = arith.constant 0 : i32
      %add3A_63 = arith.addi %mul3A_10, %add3A_62 : i32
      %dma_wait3A = arith.constant 0 : i32
      %dma_wait3A_64 = arith.constant 0 : i32
      %dma_wait3A_65 = arith.constant 0 : i32
      %dma_wait3A_66 = tpu.memref_slice %arg6[%dma_wait3A, %dma_wait3A_64, %dma_wait3A_65] : memref<4x128x128xf32, #tpu.memory_space<vmem>> -> memref<1x128x128xf32, #tpu.memory_space<vmem>>
      %dma_wait3A_67 = tpu.memref_squeeze %dma_wait3A_66 : memref<1x128x128xf32, #tpu.memory_space<vmem>> -> memref<128x128xf32, #tpu.memory_space<vmem>>
      %dma_wait3A_68 = arith.constant 0 : i32
      %dma_wait3A_69 = tpu.memref_slice %arg5[%add3A_63, %dma_wait3A_68] : memref<80x128xi32, #tpu.memory_space<vmem>> -> memref<1x128xi32, #tpu.memory_space<vmem>>
      %dma_wait3A_70 = tpu.memref_squeeze %dma_wait3A_69 : memref<1x128xi32, #tpu.memory_space<vmem>> -> memref<128xi32, #tpu.memory_space<vmem>>
      %dma_wait3A_71 = arith.constant 0 : i32
      %dma_wait3A_72 = arith.constant 0 : i32
      %dma_wait3A_73 = tpu.memref_slice %arg3[%dma_wait3A_71, %dma_wait3A_72] : memref<500000x128xf32, #tpu.memory_space<hbm>> -> memref<500000x128xf32, #tpu.memory_space<hbm>>
      tpu.wait_indirect_dma semaphore(%arg7 : memref<!tpu.dma_semaphore, #tpu.memory_space<semaphore_mem>>) src(%dma_wait3A_73 : memref<500000x128xf32, #tpu.memory_space<hbm>>) dst(%dma_wait3A_67 : memref<128x128xf32, #tpu.memory_space<vmem>>)
      %add3A_74 = arith.constant 0 : i32
      %add3A_75 = arith.addi %mul3A_10, %add3A_74 : i32
      %mul3A_76 = arith.constant 128 : i32
      %mul3A_77 = arith.muli %add3A_75, %mul3A_76 : i32
      %add3A_78 = arith.addi %mul3A_2, %mul3A_77 : i32
      %dma_start3A_79 = arith.constant 0 : i32
      %dma_start3A_80 = arith.constant 0 : i32
      %dma_start3A_81 = arith.constant 0 : i32
      %dma_start3A_82 = tpu.memref_slice %arg6[%dma_start3A_79, %dma_start3A_80, %dma_start3A_81] : memref<4x128x128xf32, #tpu.memory_space<vmem>> -> memref<1x128x128xf32, #tpu.memory_space<vmem>>
      %dma_start3A_83 = tpu.memref_squeeze %dma_start3A_82 : memref<1x128x128xf32, #tpu.memory_space<vmem>> -> memref<128x128xf32, #tpu.memory_space<vmem>>
      %dma_start3A_84 = arith.constant 0 : i32
      %dma_start3A_85 = tpu.memref_slice %arg4[%add3A_78, %dma_start3A_84] : memref<327680x128xf32, #tpu.memory_space<hbm>> -> memref<128x128xf32, #tpu.memory_space<hbm>>
      %dma_start3A_86 = arith.constant 0 : i32
      %dma_start3A_87 = tpu.memref_slice %arg4[%add3A_78, %dma_start3A_86] : memref<327680x128xf32, #tpu.memory_space<hbm>> -> memref<128x128xf32, #tpu.memory_space<hbm>>
      %dma_start3A_88 = arith.constant 0 : i32
      %dma_start3A_89 = arith.constant 0 : i32
      %dma_start3A_90 = tpu.memref_slice %arg6[%dma_start3A_79, %dma_start3A_88, %dma_start3A_89] : memref<4x128x128xf32, #tpu.memory_space<vmem>> -> memref<1x128x128xf32, #tpu.memory_space<vmem>>
      %dma_start3A_91 = tpu.memref_squeeze %dma_start3A_90 : memref<1x128x128xf32, #tpu.memory_space<vmem>> -> memref<128x128xf32, #tpu.memory_space<vmem>>
      tpu.enqueue_dma source(%dma_start3A_91 : memref<128x128xf32, #tpu.memory_space<vmem>>) target(%dma_start3A_87 : memref<128x128xf32, #tpu.memory_space<hbm>>) target_semaphore(%arg8 : memref<!tpu.dma_semaphore, #tpu.memory_space<semaphore_mem>>)
      %add3A_92 = arith.constant 1 : i32
      %add3A_93 = arith.addi %mul3A_10, %add3A_92 : i32
      %dma_wait3A_94 = arith.constant 1 : i32
      %dma_wait3A_95 = arith.constant 0 : i32
      %dma_wait3A_96 = arith.constant 0 : i32
      %dma_wait3A_97 = tpu.memref_slice %arg6[%dma_wait3A_94, %dma_wait3A_95, %dma_wait3A_96] : memref<4x128x128xf32, #tpu.memory_space<vmem>> -> memref<1x128x128xf32, #tpu.memory_space<vmem>>
      %dma_wait3A_98 = tpu.memref_squeeze %dma_wait3A_97 : memref<1x128x128xf32, #tpu.memory_space<vmem>> -> memref<128x128xf32, #tpu.memory_space<vmem>>
      %dma_wait3A_99 = arith.constant 0 : i32
      %dma_wait3A_100 = tpu.memref_slice %arg5[%add3A_93, %dma_wait3A_99] : memref<80x128xi32, #tpu.memory_space<vmem>> -> memref<1x128xi32, #tpu.memory_space<vmem>>
      %dma_wait3A_101 = tpu.memref_squeeze %dma_wait3A_100 : memref<1x128xi32, #tpu.memory_space<vmem>> -> memref<128xi32, #tpu.memory_space<vmem>>
      %dma_wait3A_102 = arith.constant 0 : i32
      %dma_wait3A_103 = arith.constant 0 : i32
      %dma_wait3A_104 = tpu.memref_slice %arg3[%dma_wait3A_102, %dma_wait3A_103] : memref<500000x128xf32, #tpu.memory_space<hbm>> -> memref<500000x128xf32, #tpu.memory_space<hbm>>
      tpu.wait_indirect_dma semaphore(%arg7 : memref<!tpu.dma_semaphore, #tpu.memory_space<semaphore_mem>>) src(%dma_wait3A_104 : memref<500000x128xf32, #tpu.memory_space<hbm>>) dst(%dma_wait3A_98 : memref<128x128xf32, #tpu.memory_space<vmem>>)
      %add3A_105 = arith.constant 1 : i32
      %add3A_106 = arith.addi %mul3A_10, %add3A_105 : i32
      %mul3A_107 = arith.constant 128 : i32
      %mul3A_108 = arith.muli %add3A_106, %mul3A_107 : i32
      %add3A_109 = arith.addi %mul3A_2, %mul3A_108 : i32
      %dma_start3A_110 = arith.constant 1 : i32
      %dma_start3A_111 = arith.constant 0 : i32
      %dma_start3A_112 = arith.constant 0 : i32
      %dma_start3A_113 = tpu.memref_slice %arg6[%dma_start3A_110, %dma_start3A_111, %dma_start3A_112] : memref<4x128x128xf32, #tpu.memory_space<vmem>> -> memref<1x128x128xf32, #tpu.memory_space<vmem>>
      %dma_start3A_114 = tpu.memref_squeeze %dma_start3A_113 : memref<1x128x128xf32, #tpu.memory_space<vmem>> -> memref<128x128xf32, #tpu.memory_space<vmem>>
      %dma_start3A_115 = arith.constant 0 : i32
      %dma_start3A_116 = tpu.memref_slice %arg4[%add3A_109, %dma_start3A_115] : memref<327680x128xf32, #tpu.memory_space<hbm>> -> memref<128x128xf32, #tpu.memory_space<hbm>>
      %dma_start3A_117 = arith.constant 0 : i32
      %dma_start3A_118 = tpu.memref_slice %arg4[%add3A_109, %dma_start3A_117] : memref<327680x128xf32, #tpu.memory_space<hbm>> -> memref<128x128xf32, #tpu.memory_space<hbm>>
      %dma_start3A_119 = arith.constant 0 : i32
      %dma_start3A_120 = arith.constant 0 : i32
      %dma_start3A_121 = tpu.memref_slice %arg6[%dma_start3A_110, %dma_start3A_119, %dma_start3A_120] : memref<4x128x128xf32, #tpu.memory_space<vmem>> -> memref<1x128x128xf32, #tpu.memory_space<vmem>>
      %dma_start3A_122 = tpu.memref_squeeze %dma_start3A_121 : memref<1x128x128xf32, #tpu.memory_space<vmem>> -> memref<128x128xf32, #tpu.memory_space<vmem>>
      tpu.enqueue_dma source(%dma_start3A_122 : memref<128x128xf32, #tpu.memory_space<vmem>>) target(%dma_start3A_118 : memref<128x128xf32, #tpu.memory_space<hbm>>) target_semaphore(%arg8 : memref<!tpu.dma_semaphore, #tpu.memory_space<semaphore_mem>>)
      %add3A_123 = arith.constant 2 : i32
      %add3A_124 = arith.addi %mul3A_10, %add3A_123 : i32
      %dma_wait3A_125 = arith.constant 2 : i32
      %dma_wait3A_126 = arith.constant 0 : i32
      %dma_wait3A_127 = arith.constant 0 : i32
      %dma_wait3A_128 = tpu.memref_slice %arg6[%dma_wait3A_125, %dma_wait3A_126, %dma_wait3A_127] : memref<4x128x128xf32, #tpu.memory_space<vmem>> -> memref<1x128x128xf32, #tpu.memory_space<vmem>>
      %dma_wait3A_129 = tpu.memref_squeeze %dma_wait3A_128 : memref<1x128x128xf32, #tpu.memory_space<vmem>> -> memref<128x128xf32, #tpu.memory_space<vmem>>
      %dma_wait3A_130 = arith.constant 0 : i32
      %dma_wait3A_131 = tpu.memref_slice %arg5[%add3A_124, %dma_wait3A_130] : memref<80x128xi32, #tpu.memory_space<vmem>> -> memref<1x128xi32, #tpu.memory_space<vmem>>
      %dma_wait3A_132 = tpu.memref_squeeze %dma_wait3A_131 : memref<1x128xi32, #tpu.memory_space<vmem>> -> memref<128xi32, #tpu.memory_space<vmem>>
      %dma_wait3A_133 = arith.constant 0 : i32
      %dma_wait3A_134 = arith.constant 0 : i32
      %dma_wait3A_135 = tpu.memref_slice %arg3[%dma_wait3A_133, %dma_wait3A_134] : memref<500000x128xf32, #tpu.memory_space<hbm>> -> memref<500000x128xf32, #tpu.memory_space<hbm>>
      tpu.wait_indirect_dma semaphore(%arg7 : memref<!tpu.dma_semaphore, #tpu.memory_space<semaphore_mem>>) src(%dma_wait3A_135 : memref<500000x128xf32, #tpu.memory_space<hbm>>) dst(%dma_wait3A_129 : memref<128x128xf32, #tpu.memory_space<vmem>>)
      %add3A_136 = arith.constant 2 : i32
      %add3A_137 = arith.addi %mul3A_10, %add3A_136 : i32
      %mul3A_138 = arith.constant 128 : i32
      %mul3A_139 = arith.muli %add3A_137, %mul3A_138 : i32
      %add3A_140 = arith.addi %mul3A_2, %mul3A_139 : i32
      %dma_start3A_141 = arith.constant 2 : i32
      %dma_start3A_142 = arith.constant 0 : i32
      %dma_start3A_143 = arith.constant 0 : i32
      %dma_start3A_144 = tpu.memref_slice %arg6[%dma_start3A_141, %dma_start3A_142, %dma_start3A_143] : memref<4x128x128xf32, #tpu.memory_space<vmem>> -> memref<1x128x128xf32, #tpu.memory_space<vmem>>
      %dma_start3A_145 = tpu.memref_squeeze %dma_start3A_144 : memref<1x128x128xf32, #tpu.memory_space<vmem>> -> memref<128x128xf32, #tpu.memory_space<vmem>>
      %dma_start3A_146 = arith.constant 0 : i32
      %dma_start3A_147 = tpu.memref_slice %arg4[%add3A_140, %dma_start3A_146] : memref<327680x128xf32, #tpu.memory_space<hbm>> -> memref<128x128xf32, #tpu.memory_space<hbm>>
      %dma_start3A_148 = arith.constant 0 : i32
      %dma_start3A_149 = tpu.memref_slice %arg4[%add3A_140, %dma_start3A_148] : memref<327680x128xf32, #tpu.memory_space<hbm>> -> memref<128x128xf32, #tpu.memory_space<hbm>>
      %dma_start3A_150 = arith.constant 0 : i32
      %dma_start3A_151 = arith.constant 0 : i32
      %dma_start3A_152 = tpu.memref_slice %arg6[%dma_start3A_141, %dma_start3A_150, %dma_start3A_151] : memref<4x128x128xf32, #tpu.memory_space<vmem>> -> memref<1x128x128xf32, #tpu.memory_space<vmem>>
      %dma_start3A_153 = tpu.memref_squeeze %dma_start3A_152 : memref<1x128x128xf32, #tpu.memory_space<vmem>> -> memref<128x128xf32, #tpu.memory_space<vmem>>
      tpu.enqueue_dma source(%dma_start3A_153 : memref<128x128xf32, #tpu.memory_space<vmem>>) target(%dma_start3A_149 : memref<128x128xf32, #tpu.memory_space<hbm>>) target_semaphore(%arg8 : memref<!tpu.dma_semaphore, #tpu.memory_space<semaphore_mem>>)
      %add3A_154 = arith.constant 3 : i32
      %add3A_155 = arith.addi %mul3A_10, %add3A_154 : i32
      %dma_wait3A_156 = arith.constant 3 : i32
      %dma_wait3A_157 = arith.constant 0 : i32
      %dma_wait3A_158 = arith.constant 0 : i32
      %dma_wait3A_159 = tpu.memref_slice %arg6[%dma_wait3A_156, %dma_wait3A_157, %dma_wait3A_158] : memref<4x128x128xf32, #tpu.memory_space<vmem>> -> memref<1x128x128xf32, #tpu.memory_space<vmem>>
      %dma_wait3A_160 = tpu.memref_squeeze %dma_wait3A_159 : memref<1x128x128xf32, #tpu.memory_space<vmem>> -> memref<128x128xf32, #tpu.memory_space<vmem>>
      %dma_wait3A_161 = arith.constant 0 : i32
      %dma_wait3A_162 = tpu.memref_slice %arg5[%add3A_155, %dma_wait3A_161] : memref<80x128xi32, #tpu.memory_space<vmem>> -> memref<1x128xi32, #tpu.memory_space<vmem>>
      %dma_wait3A_163 = tpu.memref_squeeze %dma_wait3A_162 : memref<1x128xi32, #tpu.memory_space<vmem>> -> memref<128xi32, #tpu.memory_space<vmem>>
      %dma_wait3A_164 = arith.constant 0 : i32
      %dma_wait3A_165 = arith.constant 0 : i32
      %dma_wait3A_166 = tpu.memref_slice %arg3[%dma_wait3A_164, %dma_wait3A_165] : memref<500000x128xf32, #tpu.memory_space<hbm>> -> memref<500000x128xf32, #tpu.memory_space<hbm>>
      tpu.wait_indirect_dma semaphore(%arg7 : memref<!tpu.dma_semaphore, #tpu.memory_space<semaphore_mem>>) src(%dma_wait3A_166 : memref<500000x128xf32, #tpu.memory_space<hbm>>) dst(%dma_wait3A_160 : memref<128x128xf32, #tpu.memory_space<vmem>>)
      %add3A_167 = arith.constant 3 : i32
      %add3A_168 = arith.addi %mul3A_10, %add3A_167 : i32
      %mul3A_169 = arith.constant 128 : i32
      %mul3A_170 = arith.muli %add3A_168, %mul3A_169 : i32
      %add3A_171 = arith.addi %mul3A_2, %mul3A_170 : i32
      %dma_start3A_172 = arith.constant 3 : i32
      %dma_start3A_173 = arith.constant 0 : i32
      %dma_start3A_174 = arith.constant 0 : i32
      %dma_start3A_175 = tpu.memref_slice %arg6[%dma_start3A_172, %dma_start3A_173, %dma_start3A_174] : memref<4x128x128xf32, #tpu.memory_space<vmem>> -> memref<1x128x128xf32, #tpu.memory_space<vmem>>
      %dma_start3A_176 = tpu.memref_squeeze %dma_start3A_175 : memref<1x128x128xf32, #tpu.memory_space<vmem>> -> memref<128x128xf32, #tpu.memory_space<vmem>>
      %dma_start3A_177 = arith.constant 0 : i32
      %dma_start3A_178 = tpu.memref_slice %arg4[%add3A_171, %dma_start3A_177] : memref<327680x128xf32, #tpu.memory_space<hbm>> -> memref<128x128xf32, #tpu.memory_space<hbm>>
      %dma_start3A_179 = arith.constant 0 : i32
      %dma_start3A_180 = tpu.memref_slice %arg4[%add3A_171, %dma_start3A_179] : memref<327680x128xf32, #tpu.memory_space<hbm>> -> memref<128x128xf32, #tpu.memory_space<hbm>>
      %dma_start3A_181 = arith.constant 0 : i32
      %dma_start3A_182 = arith.constant 0 : i32
      %dma_start3A_183 = tpu.memref_slice %arg6[%dma_start3A_172, %dma_start3A_181, %dma_start3A_182] : memref<4x128x128xf32, #tpu.memory_space<vmem>> -> memref<1x128x128xf32, #tpu.memory_space<vmem>>
      %dma_start3A_184 = tpu.memref_squeeze %dma_start3A_183 : memref<1x128x128xf32, #tpu.memory_space<vmem>> -> memref<128x128xf32, #tpu.memory_space<vmem>>
      tpu.enqueue_dma source(%dma_start3A_184 : memref<128x128xf32, #tpu.memory_space<vmem>>) target(%dma_start3A_180 : memref<128x128xf32, #tpu.memory_space<hbm>>) target_semaphore(%arg8 : memref<!tpu.dma_semaphore, #tpu.memory_space<semaphore_mem>>)
      %add3A_185 = arith.constant 0 : i32
      %add3A_186 = arith.addi %mul3A_10, %add3A_185 : i32
      %mul3A_187 = arith.constant 128 : i32
      %mul3A_188 = arith.muli %add3A_186, %mul3A_187 : i32
      %add3A_189 = arith.addi %mul3A_2, %mul3A_188 : i32
      %dma_wait3A_190 = arith.constant 0 : i32
      %dma_wait3A_191 = arith.constant 0 : i32
      %dma_wait3A_192 = arith.constant 0 : i32
      %dma_wait3A_193 = tpu.memref_slice %arg6[%dma_wait3A_190, %dma_wait3A_191, %dma_wait3A_192] : memref<4x128x128xf32, #tpu.memory_space<vmem>> -> memref<1x128x128xf32, #tpu.memory_space<vmem>>
      %dma_wait3A_194 = tpu.memref_squeeze %dma_wait3A_193 : memref<1x128x128xf32, #tpu.memory_space<vmem>> -> memref<128x128xf32, #tpu.memory_space<vmem>>
      %dma_wait3A_195 = arith.constant 0 : i32
      %dma_wait3A_196 = tpu.memref_slice %arg4[%add3A_189, %dma_wait3A_195] : memref<327680x128xf32, #tpu.memory_space<hbm>> -> memref<128x128xf32, #tpu.memory_space<hbm>>
      %dma_wait3A_197 = arith.constant 0 : i32
      %dma_wait3A_198 = tpu.memref_slice %arg4[%add3A_189, %dma_wait3A_197] : memref<327680x128xf32, #tpu.memory_space<hbm>> -> memref<128x128xf32, #tpu.memory_space<hbm>>
      %dma_wait3A_199 = arith.constant 0 : i32
      %dma_wait3A_200 = arith.constant 0 : i32
      %dma_wait3A_201 = tpu.memref_slice %arg6[%dma_wait3A_190, %dma_wait3A_199, %dma_wait3A_200] : memref<4x128x128xf32, #tpu.memory_space<vmem>> -> memref<1x128x128xf32, #tpu.memory_space<vmem>>
      %dma_wait3A_202 = tpu.memref_squeeze %dma_wait3A_201 : memref<1x128x128xf32, #tpu.memory_space<vmem>> -> memref<128x128xf32, #tpu.memory_space<vmem>>
      tpu.wait_dma2 semaphore(%arg8 : memref<!tpu.dma_semaphore, #tpu.memory_space<semaphore_mem>>) src(%dma_wait3A_202 : memref<128x128xf32, #tpu.memory_space<vmem>>) dst(%dma_wait3A_198 : memref<128x128xf32, #tpu.memory_space<hbm>>)
      %add3A_203 = arith.constant 1 : i32
      %add3A_204 = arith.addi %mul3A_10, %add3A_203 : i32
      %mul3A_205 = arith.constant 128 : i32
      %mul3A_206 = arith.muli %add3A_204, %mul3A_205 : i32
      %add3A_207 = arith.addi %mul3A_2, %mul3A_206 : i32
      %dma_wait3A_208 = arith.constant 1 : i32
      %dma_wait3A_209 = arith.constant 0 : i32
      %dma_wait3A_210 = arith.constant 0 : i32
      %dma_wait3A_211 = tpu.memref_slice %arg6[%dma_wait3A_208, %dma_wait3A_209, %dma_wait3A_210] : memref<4x128x128xf32, #tpu.memory_space<vmem>> -> memref<1x128x128xf32, #tpu.memory_space<vmem>>
      %dma_wait3A_212 = tpu.memref_squeeze %dma_wait3A_211 : memref<1x128x128xf32, #tpu.memory_space<vmem>> -> memref<128x128xf32, #tpu.memory_space<vmem>>
      %dma_wait3A_213 = arith.constant 0 : i32
      %dma_wait3A_214 = tpu.memref_slice %arg4[%add3A_207, %dma_wait3A_213] : memref<327680x128xf32, #tpu.memory_space<hbm>> -> memref<128x128xf32, #tpu.memory_space<hbm>>
      %dma_wait3A_215 = arith.constant 0 : i32
      %dma_wait3A_216 = tpu.memref_slice %arg4[%add3A_207, %dma_wait3A_215] : memref<327680x128xf32, #tpu.memory_space<hbm>> -> memref<128x128xf32, #tpu.memory_space<hbm>>
      %dma_wait3A_217 = arith.constant 0 : i32
      %dma_wait3A_218 = arith.constant 0 : i32
      %dma_wait3A_219 = tpu.memref_slice %arg6[%dma_wait3A_208, %dma_wait3A_217, %dma_wait3A_218] : memref<4x128x128xf32, #tpu.memory_space<vmem>> -> memref<1x128x128xf32, #tpu.memory_space<vmem>>
      %dma_wait3A_220 = tpu.memref_squeeze %dma_wait3A_219 : memref<1x128x128xf32, #tpu.memory_space<vmem>> -> memref<128x128xf32, #tpu.memory_space<vmem>>
      tpu.wait_dma2 semaphore(%arg8 : memref<!tpu.dma_semaphore, #tpu.memory_space<semaphore_mem>>) src(%dma_wait3A_220 : memref<128x128xf32, #tpu.memory_space<vmem>>) dst(%dma_wait3A_216 : memref<128x128xf32, #tpu.memory_space<hbm>>)
      %add3A_221 = arith.constant 2 : i32
      %add3A_222 = arith.addi %mul3A_10, %add3A_221 : i32
      %mul3A_223 = arith.constant 128 : i32
      %mul3A_224 = arith.muli %add3A_222, %mul3A_223 : i32
      %add3A_225 = arith.addi %mul3A_2, %mul3A_224 : i32
      %dma_wait3A_226 = arith.constant 2 : i32
      %dma_wait3A_227 = arith.constant 0 : i32
      %dma_wait3A_228 = arith.constant 0 : i32
      %dma_wait3A_229 = tpu.memref_slice %arg6[%dma_wait3A_226, %dma_wait3A_227, %dma_wait3A_228] : memref<4x128x128xf32, #tpu.memory_space<vmem>> -> memref<1x128x128xf32, #tpu.memory_space<vmem>>
      %dma_wait3A_230 = tpu.memref_squeeze %dma_wait3A_229 : memref<1x128x128xf32, #tpu.memory_space<vmem>> -> memref<128x128xf32, #tpu.memory_space<vmem>>
      %dma_wait3A_231 = arith.constant 0 : i32
      %dma_wait3A_232 = tpu.memref_slice %arg4[%add3A_225, %dma_wait3A_231] : memref<327680x128xf32, #tpu.memory_space<hbm>> -> memref<128x128xf32, #tpu.memory_space<hbm>>
      %dma_wait3A_233 = arith.constant 0 : i32
      %dma_wait3A_234 = tpu.memref_slice %arg4[%add3A_225, %dma_wait3A_233] : memref<327680x128xf32, #tpu.memory_space<hbm>> -> memref<128x128xf32, #tpu.memory_space<hbm>>
      %dma_wait3A_235 = arith.constant 0 : i32
      %dma_wait3A_236 = arith.constant 0 : i32
      %dma_wait3A_237 = tpu.memref_slice %arg6[%dma_wait3A_226, %dma_wait3A_235, %dma_wait3A_236] : memref<4x128x128xf32, #tpu.memory_space<vmem>> -> memref<1x128x128xf32, #tpu.memory_space<vmem>>
      %dma_wait3A_238 = tpu.memref_squeeze %dma_wait3A_237 : memref<1x128x128xf32, #tpu.memory_space<vmem>> -> memref<128x128xf32, #tpu.memory_space<vmem>>
      tpu.wait_dma2 semaphore(%arg8 : memref<!tpu.dma_semaphore, #tpu.memory_space<semaphore_mem>>) src(%dma_wait3A_238 : memref<128x128xf32, #tpu.memory_space<vmem>>) dst(%dma_wait3A_234 : memref<128x128xf32, #tpu.memory_space<hbm>>)
      %add3A_239 = arith.constant 3 : i32
      %add3A_240 = arith.addi %mul3A_10, %add3A_239 : i32
      %mul3A_241 = arith.constant 128 : i32
      %mul3A_242 = arith.muli %add3A_240, %mul3A_241 : i32
      %add3A_243 = arith.addi %mul3A_2, %mul3A_242 : i32
      %dma_wait3A_244 = arith.constant 3 : i32
      %dma_wait3A_245 = arith.constant 0 : i32
      %dma_wait3A_246 = arith.constant 0 : i32
      %dma_wait3A_247 = tpu.memref_slice %arg6[%dma_wait3A_244, %dma_wait3A_245, %dma_wait3A_246] : memref<4x128x128xf32, #tpu.memory_space<vmem>> -> memref<1x128x128xf32, #tpu.memory_space<vmem>>
      %dma_wait3A_248 = tpu.memref_squeeze %dma_wait3A_247 : memref<1x128x128xf32, #tpu.memory_space<vmem>> -> memref<128x128xf32, #tpu.memory_space<vmem>>
      %dma_wait3A_249 = arith.constant 0 : i32
      %dma_wait3A_250 = tpu.memref_slice %arg4[%add3A_243, %dma_wait3A_249] : memref<327680x128xf32, #tpu.memory_space<hbm>> -> memref<128x128xf32, #tpu.memory_space<hbm>>
      %dma_wait3A_251 = arith.constant 0 : i32
      %dma_wait3A_252 = tpu.memref_slice %arg4[%add3A_243, %dma_wait3A_251] : memref<327680x128xf32, #tpu.memory_space<hbm>> -> memref<128x128xf32, #tpu.memory_space<hbm>>
      %dma_wait3A_253 = arith.constant 0 : i32
      %dma_wait3A_254 = arith.constant 0 : i32
      %dma_wait3A_255 = tpu.memref_slice %arg6[%dma_wait3A_244, %dma_wait3A_253, %dma_wait3A_254] : memref<4x128x128xf32, #tpu.memory_space<vmem>> -> memref<1x128x128xf32, #tpu.memory_space<vmem>>
      %dma_wait3A_256 = tpu.memref_squeeze %dma_wait3A_255 : memref<1x128x128xf32, #tpu.memory_space<vmem>> -> memref<128x128xf32, #tpu.memory_space<vmem>>
      tpu.wait_dma2 semaphore(%arg8 : memref<!tpu.dma_semaphore, #tpu.memory_space<semaphore_mem>>) src(%dma_wait3A_256 : memref<128x128xf32, #tpu.memory_space<vmem>>) dst(%dma_wait3A_252 : memref<128x128xf32, #tpu.memory_space<hbm>>)
    }
    %scan3A_7 = arith.constant 20 : i32
    return
  }
}

module attributes {stable_mosaic.version = 14 : i64} {
  func.func @fold_kernel(%arg0: i32, %arg1: memref<64x2048xf32, #tpu.memory_space<vmem>>, %arg2: memref<1024x128xf32, #tpu.memory_space<vmem>>) attributes {dimension_semantics = [#tpu.dimension_semantics<arbitrary>], iteration_bounds = array<i64: 489>, scalar_prefetch = 0 : i64, scratch_operands = 0 : i64, tpu.core_type = #tpu.core_type<tc>, window_params = [{transform_indices = @transform_0, window_bounds = array<i64: 64, 2048>}, {transform_indices = @transform_1, window_bounds = array<i64: 1024, 128>}]} {
    %get3A = arith.constant 0 : index
    %get3A_0 = arith.constant 0 : index
    %get3A_1 = vector.load %arg1[%get3A, %get3A_0] : memref<64x2048xf32, #tpu.memory_space<vmem>>, vector<64x2048xf32>
    %transpose3A = tpu.transpose %get3A_1, [1, 0] : vector<64x2048xf32> -> vector<2048x64xf32>
    %reshape3A = vector.shape_cast %transpose3A : vector<2048x64xf32> to vector<128x16x64xf32>
    %slice3A = vector.extract_strided_slice %reshape3A {offsets = [0, 0, 0], sizes = [128, 8, 64], strides = [1, 1, 1]} : vector<128x16x64xf32> to vector<128x8x64xf32>
    %slice3A_2 = vector.extract_strided_slice %reshape3A {offsets = [0, 8, 0], sizes = [128, 8, 64], strides = [1, 1, 1]} : vector<128x16x64xf32> to vector<128x8x64xf32>
    %concatenate3A = tpu.concatenate %slice3A, %slice3A_2 in 2 : vector<128x8x64xf32>, vector<128x8x64xf32> -> vector<128x8x128xf32>
    %reshape3A_3 = vector.shape_cast %concatenate3A : vector<128x8x128xf32> to vector<1024x128xf32>
    %swap3A = arith.constant 0 : index
    %swap3A_4 = arith.constant 0 : index
    %swap3A_5 = vector.load %arg2[%swap3A, %swap3A_4] : memref<1024x128xf32, #tpu.memory_space<vmem>>, vector<1024x128xf32>
    tpu.vector_store %arg2[%swap3A, %swap3A_4], %reshape3A_3 {strides = array<i32>} : memref<1024x128xf32, #tpu.memory_space<vmem>>, vector<1024x128xf32>,
    return
  }
  func.func @transform_0(%arg0: i32) -> (i32, i32) {
    %c0_i32 = arith.constant 0 : i32
    %c0_i32_0 = arith.constant 0 : i32
    return %c0_i32, %arg0 : i32, i32
  }
  func.func @transform_1(%arg0: i32) -> (i32, i32) {
    %c0_i32 = arith.constant 0 : i32
    %c0_i32_0 = arith.constant 0 : i32
    return %arg0, %c0_i32 : i32, i32
  }
}

module attributes {stable_mosaic.version = 14 : i64} {
  func.func @mm_kernel(%arg0: i32, %arg1: i32, %arg2: memref<2048x128xf32, #tpu.memory_space<vmem>>, %arg3: memref<1x1x2048xf32, #tpu.memory_space<vmem>>, %arg4: memref<128x64xf32, #tpu.memory_space<vmem>>, %arg5: memref<128x64xf32, #tpu.memory_space<vmem>>, %arg6: memref<64x1xf32, #tpu.memory_space<vmem>>, %arg7: memref<1x64x2048xf32, #tpu.memory_space<vmem>>) attributes {dimension_semantics = [#tpu.dimension_semantics<arbitrary>, #tpu.dimension_semantics<arbitrary>], iteration_bounds = array<i64: 20, 8>, scalar_prefetch = 0 : i64, scratch_operands = 0 : i64, tpu.core_type = #tpu.core_type<tc>, window_params = [{transform_indices = @transform_0, window_bounds = array<i64: 2048, 128>}, {transform_indices = @transform_1, window_bounds = array<i64: 1, 1, 2048>}, {pipeline_mode = #tpu.pipeline_mode<synchronous>, transform_indices = @transform_2, window_bounds = array<i64: 128, 64>}, {pipeline_mode = #tpu.pipeline_mode<synchronous>, transform_indices = @transform_3, window_bounds = array<i64: 128, 64>}, {pipeline_mode = #tpu.pipeline_mode<synchronous>, transform_indices = @transform_4, window_bounds = array<i64: 64, 1>}, {transform_indices = @transform_5, window_bounds = array<i64: 1, 64, 2048>}]} {
    %get3A = arith.constant 0 : index
    %get3A_0 = arith.constant 0 : index
    %get3A_1 = vector.load %arg4[%get3A, %get3A_0] : memref<128x64xf32, #tpu.memory_space<vmem>>, vector<128x64xf32>
    %get3A_2 = arith.constant 0 : index
    %get3A_3 = arith.constant 0 : index
    %get3A_4 = vector.load %arg2[%get3A_2, %get3A_3] : memref<2048x128xf32, #tpu.memory_space<vmem>>, vector<2048x128xf32>
    %dot_general3A = arith.constant dense<0.000000e+00> : vector<64x2048xf32>
    %dot_general3A_5 = tpu.matmul %get3A_1, %get3A_4, %dot_general3A {dimension_numbers = #tpu.dot_dimension_numbers<[0], [1], [1], [0], [0, 1, 1, 0], [], []>, transpose_lhs_hint = false} : vector<128x64xf32>, vector<2048x128xf32>, vector<64x2048xf32> -> vector<64x2048xf32>
    %get3A_6 = arith.constant 0 : index
    %get3A_7 = arith.constant 0 : index
    %get3A_8 = vector.load %arg5[%get3A_6, %get3A_7] : memref<128x64xf32, #tpu.memory_space<vmem>>, vector<128x64xf32>
    %get3A_9 = arith.constant 0 : index
    %get3A_10 = arith.constant 0 : index
    %get3A_11 = vector.load %arg2[%get3A_9, %get3A_10] : memref<2048x128xf32, #tpu.memory_space<vmem>>, vector<2048x128xf32>
    %dot_general3A_12 = arith.constant dense<0.000000e+00> : vector<64x2048xf32>
    %dot_general3A_13 = tpu.matmul %get3A_8, %get3A_11, %dot_general3A_12 {dimension_numbers = #tpu.dot_dimension_numbers<[0], [1], [1], [0], [0, 1, 1, 0], [], []>, transpose_lhs_hint = false} : vector<128x64xf32>, vector<2048x128xf32>, vector<64x2048xf32> -> vector<64x2048xf32>
    %get3A_14 = arith.constant 0 : index
    %get3A_15 = arith.constant 0 : index
    %get3A_16 = arith.constant 0 : index
    %get3A_17 = vector.load %arg3[%get3A_14, %get3A_15, %get3A_16] : memref<1x1x2048xf32, #tpu.memory_space<vmem>>, vector<1x1x2048xf32>
    %get3A_18 = vector.shape_cast %get3A_17 : vector<1x1x2048xf32> to vector<1x2048xf32>
    %ne3A = arith.constant 0.000000e+00 : f32
    %ne3A_19 = vector.broadcast %ne3A : f32 to vector<1x2048xf32>
    %ne3A_20 = arith.cmpf one, %get3A_18, %ne3A_19 : vector<1x2048xf32>
    %broadcast_in_dim3A = vector.shape_cast %ne3A_20 : vector<1x2048xi1> to vector<1x2048xi1>
    %broadcast_in_dim3A_21 = vector.broadcast %broadcast_in_dim3A : vector<1x2048xi1> to vector<64x2048xi1>
    %select_n3A = arith.select %broadcast_in_dim3A_21, %dot_general3A_13, %dot_general3A_5 : vector<64x2048xi1>, vector<64x2048xf32>
    %get3A_22 = arith.constant 0 : index
    %get3A_23 = arith.constant 0 : index
    %get3A_24 = vector.load %arg6[%get3A_22, %get3A_23] : memref<64x1xf32, #tpu.memory_space<vmem>>, vector<64x1xf32>
    %add3A = vector.broadcast %get3A_24 : vector<64x1xf32> to vector<64x2048xf32>
    %add3A_25 = arith.addf %select_n3A, %add3A : vector<64x2048xf32>
    %swap3A = arith.constant 0 : index
    %swap3A_26 = arith.constant 0 : index
    %swap3A_27 = arith.constant 0 : index
    %swap3A_28 = vector.load %arg7[%swap3A, %swap3A_26, %swap3A_27] : memref<1x64x2048xf32, #tpu.memory_space<vmem>>, vector<1x64x2048xf32>
    %swap3A_29 = vector.shape_cast %swap3A_28 : vector<1x64x2048xf32> to vector<64x2048xf32>
    %swap3A_30 = vector.shape_cast %add3A_25 : vector<64x2048xf32> to vector<1x64x2048xf32>
    tpu.vector_store %arg7[%swap3A, %swap3A_26, %swap3A_27], %swap3A_30 {strides = array<i32>} : memref<1x64x2048xf32, #tpu.memory_space<vmem>>, vector<1x64x2048xf32>,
    return
  }
  func.func @transform_0(%arg0: i32, %arg1: i32) -> (i32, i32) {
    %mul3A = arith.constant 8 : i32
    %mul3A_0 = arith.muli %arg0, %mul3A : i32
    %add3A = arith.addi %mul3A_0, %arg1 : i32
    %c0_i32 = arith.constant 0 : i32
    %c0_i32_1 = arith.constant 0 : i32
    return %add3A, %c0_i32 : i32, i32
  }
  func.func @transform_1(%arg0: i32, %arg1: i32) -> (i32, i32, i32) {
    %c0_i32 = arith.constant 0 : i32
    %c0_i32_0 = arith.constant 0 : i32
    return %arg0, %c0_i32, %arg1 : i32, i32, i32
  }
  func.func @transform_2(%arg0: i32, %arg1: i32) -> (i32, i32) {
    %c0_i32 = arith.constant 0 : i32
    %c0_i32_0 = arith.constant 0 : i32
    %c0_i32_1 = arith.constant 0 : i32
    return %c0_i32, %c0_i32_0 : i32, i32
  }
  func.func @transform_3(%arg0: i32, %arg1: i32) -> (i32, i32) {
    %c0_i32 = arith.constant 0 : i32
    %c0_i32_0 = arith.constant 0 : i32
    %c0_i32_1 = arith.constant 0 : i32
    return %c0_i32, %c0_i32_0 : i32, i32
  }
  func.func @transform_4(%arg0: i32, %arg1: i32) -> (i32, i32) {
    %c0_i32 = arith.constant 0 : i32
    %c0_i32_0 = arith.constant 0 : i32
    %c0_i32_1 = arith.constant 0 : i32
    return %c0_i32, %c0_i32_0 : i32, i32
  }
  func.func @transform_5(%arg0: i32, %arg1: i32) -> (i32, i32, i32) {
    %c0_i32 = arith.constant 0 : i32
    %c0_i32_0 = arith.constant 0 : i32
    return %arg0, %c0_i32, %arg1 : i32, i32, i32
  }
}

</mosaic_0001>

<sc_bundles>
// kernel: kernel.5.cloned.1.call-start
scs
__scs_entry_jumppad:
0x0: {  	(pc) =	sbr.rel $0x88, $3  }
0x1: {  	(tag) =	ssettag $0x0;
	lr =	simm.s32 $0x1  }
0x2: {  	[smem:$0x3F9D] =	sst lr;
	_ =	strace $0xD0000000  }
0x3: {  	_ = 	snop  }
0x4: {  	_ = 	snop  }
0x5: {  	_ = 	snop  }
0x6: {  	_ = 	snop  }
0x7: {  	_ = 	snop  }
__scs_overlays_trampoline_lowered:
0x8: {  	[smem:$0x3FAC] =	sst s0  }
0x9: {  	[smem:$0x3FAD] =	sst s1  }
0xa: {  	[smem:$0x3FAE] =	sst s2  }
0xb: {  	[smem:$0x3FAF] =	sst s3  }
0xc: {  	[smem:$0x3FB0] =	sst s4  }
0xd: {  	[smem:$0x3FB1] =	sst s5  }
0xe: {  	[smem:$0x3FB2] =	sst s6  }
0xf: {  	[smem:$0x3FB3] =	sst s7  }
0x10: {  	[smem:$0x3FB4] =	sst s8  }
0x11: {  	[smem:$0x3FB5] =	sst s9;
	s0 =	simm.s32 @!p0 $0x0  }
0x12: {  	s1 =	sld [smem:$0x3F9B];
	s0 =	simm.s32 @p0 $0x1  }
0x13: {  	[smem:$0x3FB6] =	sst s0;
	s0 =	simm.s32 @!p1 $0x0  }
0x14: {  	s2 =	sld [smem:$0x3F9A];
	s0 =	simm.s32 @p1 $0x1  }
0x15: {  	[smem:$0x3FB7] =	sst s0;
	s0 =	simm.s32 @!p2 $0x0  }
0x16: {  	s3 =	sld [smem:$0x3FDB];
	s0 =	simm.s32 @p2 $0x1  }
0x17: {  	s4 =	simm.s32 $0x1BF5;
	[smem:$0x3FB9] =	sst s0  }
0x18: {  	s0 =	sld [smem:$0x3F9C];
	_ =	swait.ge [sflag:s4], $0x0  }
0x19: {  	s7 =	sld [smem:$0x3F9D]  }
0x1a: {  	s8 =	sadd.s32 $0xFFFFE003, lr  }
0x1b: {  	s9 =	sadd.s32 $0xFFFFFEF7, lr;
	s5 =	simm.s32 $0xFFFFFFFF;
	p2 =	slt.u32 s8, $0xFFFFF086  }
0x1c: {  	p1 =	slt.u32 s9, $0xF7A;
	s5 =	simm.s32 @!p2 $0x0  }
0x1d: {  	s5 =	simm.s32 @p1 $0x1;
	p0 =	seq.s32 s7, s2  }
0x1e: {  	s7 =	smul.u32 @!p0 $0xF7A, s2;
	p2 =	seq.s32 @!p0 s5, $0x0  }
0x1f: {  	s9 =	smul.u32 $0xF7A, s1;
	s8 =	simm.s32 @!p0 $0x1BF5;
	p2 =	por !p2, p0  }
0x20: {  	[sflag:s8] =	ssyncset.s32 @!p0 $0xFFFFF086;
	s6 =	sadd.s32 @!p0 s3, s7;
	s7 =	simm.s32 @!p0 $0x108  }
0x21: {  	s3 =	sadd.s32 s3, s9;
	s6 =	sadd.s32 @!p0 $0x88, s6;
	s7 =	simm.s32 @p2 $0x1082  }
0x22: {  	[simem:s7], [sflag:s8] =	dma.local @!p0 [hbm:s6], $0xF7A  }
0x23: {  	s9 =	sor.u32 $0xD0000000, s2;
	s6 =	simm.s32 $0x108;
	_ =	swait.ge @!p0 [sflag:s8], $0x0  }
0x24: {  	s3 =	sadd.s32 $0x88, s3;
	s6 =	simm.s32 @!p1 $0x1082;
	[sflag:s4] =	ssyncset.s32 $0xFFFFF086  }
0x25: {  	[simem:s6], [sflag:s4] =	dma.local [hbm:s3], $0xF7A  }
0x26: {  	[smem:$0x3F9D] =	sst s1;
	(tag) =	ssettag s2;
	_ =	strace s9  }
0x27: {  	s1 =	sld [smem:$0x3FAD]  }
0x28: {  	s2 =	sld [smem:$0x3FAE]  }
0x29: {  	s4 =	sld [smem:$0x3FB0]  }
0x2a: {  	p0 =	seq.s32 s5, $0x0;
	s5 =	sld [smem:$0x3FB1]  }
0x2b: {  	s6 =	sld [smem:$0x3FB2]  }
0x2c: {  	s7 =	sld [smem:$0x3FB3]  }
0x2d: {  	s3 =	simm.s32 $0x108;
	s8 =	sld [smem:$0x3FB4]  }
0x2e: {  	s3 =	simm.s32 @!p0 $0x1082;
	s9 =	sld [smem:$0x3FB5]  }
0x2f: {  	lr =	sadd.s32 s0, s3;
	s0 =	sld [smem:$0x3FAC]  }
0x30: {  	s3 =	sld [smem:$0x3FAF]  }
0x31: {  	[smem:$0x3FB8] =	sst s10  }
0x32: {  	s10 =	sld [smem:$0x3FB6];
	_ =	sdelay $0x3  }
0x33: {  	p0 =	seq.s32 s10, $0x1;
	s10 =	sld [smem:$0x3FB8];
	_ =	sdelay $0x3  }
0x34: {  	[smem:$0x3FB8] =	sst s10  }
0x35: {  	s10 =	sld [smem:$0x3FB7];
	_ =	sdelay $0x3  }
0x36: {  	p1 =	seq.s32 s10, $0x1;
	s10 =	sld [smem:$0x3FB8];
	_ =	sdelay $0x3  }
0x37: {  	[smem:$0x3FB8] =	sst s10  }
0x38: {  	s10 =	sld [smem:$0x3FB9]  }
0x39: {  	_ = 	snop;
	(pc) =	sbr.ind lr, $3  }
0x3a: {  	_ = 	snop  }
0x3b: {  	_ = 	snop  }
0x3c: {  	p2 =	seq.s32 s10, $0x1;
	s10 =	sld [smem:$0x3FB8]  }
0x3d: {  	_ =	shalt  }
0x3e: {  	_ =	shalt  }
0x3f: {  	_ =	shalt  }
0x40: {  	_ =	shalt  }
0x41: {  	_ =	shalt  }
0x42: {  	_ =	shalt  }
0x43: {  	_ =	shalt  }
0x44: {  	_ =	shalt  }
0x45: {  	_ =	shalt  }
0x46: {  	_ =	shalt  }
0x47: {  	_ =	shalt  }
0x48: {  	_ =	shalt  }
0x49: {  	_ =	shalt  }
0x4a: {  	_ =	shalt  }
0x4b: {  	_ =	shalt  }
0x4c: {  	_ =	shalt  }
0x4d: {  	_ =	shalt  }
0x4e: {  	_ =	shalt  }
0x4f: {  	_ =	shalt  }
0x50: {  	_ =	shalt  }
0x51: {  	_ =	shalt  }
0x52: {  	_ =	shalt  }
0x53: {  	_ =	shalt  }
0x54: {  	_ =	shalt  }
0x55: {  	_ =	shalt  }
0x56: {  	_ =	shalt  }
0x57: {  	_ =	shalt  }
0x58: {  	_ =	shalt  }
0x59: {  	_ =	shalt  }
0x5a: {  	_ =	shalt  }
0x5b: {  	_ =	shalt  }
0x5c: {  	_ =	shalt  }
0x5d: {  	_ =	shalt  }
0x5e: {  	_ =	shalt  }
0x5f: {  	_ =	shalt  }
0x60: {  	_ =	shalt  }
0x61: {  	_ =	shalt  }
0x62: {  	_ =	shalt  }
0x63: {  	_ =	shalt  }
0x64: {  	_ =	shalt  }
0x65: {  	_ =	shalt  }
0x66: {  	_ =	shalt  }
0x67: {  	_ =	shalt  }
0x68: {  	_ =	shalt  }
0x69: {  	_ =	shalt  }
0x6a: {  	_ =	shalt  }
0x6b: {  	_ =	shalt  }
0x6c: {  	_ =	shalt  }
0x6d: {  	_ =	shalt  }
0x6e: {  	_ =	shalt  }
0x6f: {  	_ =	shalt  }
0x70: {  	_ =	shalt  }
0x71: {  	_ =	shalt  }
0x72: {  	_ =	shalt  }
0x73: {  	_ =	shalt  }
0x74: {  	_ =	shalt  }
0x75: {  	_ =	shalt  }
0x76: {  	_ =	shalt  }
0x77: {  	_ =	shalt  }
0x78: {  	_ =	shalt  }
0x79: {  	_ =	shalt  }
0x7a: {  	_ =	shalt  }
0x7b: {  	_ =	shalt  }
0x7c: {  	_ =	shalt  }
0x7d: {  	_ =	shalt  }
0x7e: {  	_ =	shalt  }
0x7f: {  	_ =	shalt  }
0x80: {  	_ =	shalt  }
0x81: {  	_ =	shalt  }
0x82: {  	_ =	shalt  }
0x83: {  	_ =	shalt  }
0x84: {  	_ =	shalt  }
0x85: {  	_ =	shalt  }
0x86: {  	_ =	shalt  }
0x87: {  	_ =	shalt  }
.Lfunc_end0:
.L_simem_size_0:
called_computation_lowered:
.L_overlay_start_0:
0x88: {  	s2 =	sld [smem:$0x3FD9]  }
0x89: {  	s3 =	sld [smem:$0x3FFE];
	_ =	sdelay $0x1  }
0x8a: {  	s1 =	srdreg.scid  }
0x8b: {  	s0 =	sand.u32 $0x1, s1  }
0x8c: {  	s16 =	sshll.u32 s0, $0xA;
	s2 =	sadd.s32 s3, s2  }
0x8d: {  	s2 =	sadd.s32 s2, s16  }
0x8e: {  	[smem:$0x3FC4] =	sst s2  }
0x8f: {  	_ = 	snop  }
0x90: {  	(tm) =	ssettm $0x1  }
0x91: {  	s17 =	sld [smem:$0x3FFB];
	_ =	sdelay $0x3  }
0x92: {  	_ =	strace s17  }
0x93: {  	s2 =	sld [smem:$0x3FFC];
	_ =	sdelay $0x3  }
0x94: {  	_ =	strace s2  }
0x95: {  	s2 =	sld [smem:$0x3FFD];
	_ =	sdelay $0x3  }
0x96: {  	_ =	strace s2  }
0x97: {  	_ =	strace $0x8FFFFFFF  }
0x98: {  	s18 =	sld [smem:$0x3FDB];
	_ =	sdelay $0x1  }
0x99: {  	s19 =	simm.s32 $_scs_section_size  }
0x9a: {  	s4 =	simm.s32 $_size__tile_overlayer_lowered;
	s5 =	simm.s32 $_tile_overlayer_lowered  }
0x9b: {  	s22 =	simm.s32 $0x1BFF;
	s21 =	sshll.u32 s5, $0x1;
	s2 =	sadd.s32 s19, s18  }
0x9c: {  	s6 =	simm.s32 $0x0;
	s20 =	sshll.u32 s4, $0x1;
	s4 =	sadd.s32 s21, s2  }
0x9d: {  	[timem:s6], [sflag:s22] =	dma.local [hbm:s4], s20  }
0x9e: {  	_ =	swait.ge [sflag:s22], s20  }
0x9f: {  	s3 =	ssub.s32 $0x0, s20;
	[sflag:s22] =	ssyncset.done $0x0  }
0xa0: {  	[sflag:s22] =	ssyncadd.s32 s3;
	_ =	sdelay $0x1  }
0xa1: {  	s23 =	simm.s32 $0x1B8B  }
0xa2: {  	_ =	swait.ge [sflag:s23], $0x1  }
0xa3: {  	[sflag:s23] =	ssyncset.done $0x0  }
0xa4: {  	s25 =	simm.s32 $0x1B8E;
	s24 =	sld [smem:$0x3FFE];
	[sflag:s23] =	ssyncadd.s32 $0xFFFFFFFF  }
0xa5: {  	s26 =	simm.s32 $execute0_lowered;
	[smem:$0x3FD2] =	sst s25  }
0xa6: {  	s4 =	sshll.u32 s26, $0x1;
	_ =	strace $0x80000046;
	[dreg:$0x1] =	wrdreg $0xFFFFFFFF  }
0xa7: {  	s28 =	simm.s32 $_size_execute0_lowered;
	s2 =	sadd.s32 s2, s4;
	[dreg:$0x0] =	wrdreg $0x0  }
0xa8: {  	s4 =	sshll.u32 s28, $0x1;
	[dreg:$0x2] =	wrdreg s2  }
0xa9: {  	[dreg:$0x3] =	wrdreg s4  }
0xaa: {  	[dreg:$0x4] =	wrdreg $0xC0  }
0xab: {  	_ =	task [dreg:s6], $0x5FFFF  }
0xac: {  	[dreg:$0x1] =	wrdreg $0xFFFFFFFF  }
0xad: {  	[dreg:$0x0] =	wrdreg $0x60  }
0xae: {  	[dreg:$0x2] =	wrdreg s24  }
0xaf: {  	[dreg:$0x3] =	wrdreg $0x9  }
0xb0: {  	_ =	task.clear_ibuf [dreg:s6], $0x4FFFF;
	_ =	strace $0x90000046  }
0xb1: {  	s29 =	simm.s32 $0x9;
	_ =	strace $0x80000048  }
0xb2: {  	_ =	swait.ge [sflag:s29], $0x1  }
0xb3: {  	[sflag:s29] =	ssyncadd.s32 $0xFFFFFFFF  }
0xb4: {  	_ =	strace $0x90000048  }
0xb5: {  	_ =	sfence  }
0xb6: {  	s30 =	sld [smem:$0x0];
	_ =	sdelay $0x2  }
0xb7: {  	s31 =	sshll.u32 s1, $0xD;
	s1 =	sshrl.u32 s1, $0x2  }
0xb8: {  	s3 =	sand.u32 $0x4000, s31;
	s1 =	sadd.s32 s1, s30  }
0xb9: {  	s0 =	sor.u32 s3, s0;
	s1 =	sshll.u32 s1, $0x11  }
0xba: {  	s0 =	sor.u32 s1, s0  }
0xbb: {  	s0 =	sadd.s32 $0x8F2B, s0  }
0xbc: {  	[sflag:s0] =	ssyncadd.remote.s32 $0x1  }
0xbd: {  	_ =	sfence.sel $0xFFFF  }
0xbe: {  	[dreg:$0x0] =	wrdreg $0xFFFFFFFF;
	(pc) =	sbr.abs _section_cstart, $3  }
0xbf: {  	[dreg:$0x1] =	wrdreg $0xFFFFFFFF  }
0xc0: {  	_ =	task.clear_ibuf [dreg:s6], $0x2FFFF;
	_ =	strace $0x9FFFFFFF  }
0xc1: {  	(tm) =	ssettm $0x7FFFFFFF  }
tec
execute0_lowered:
.L_overlay_start_1:
0x0: {  	(tag) =	ssettag $0x1  }
0x1: {  	s1 =	srdreg.scid;
	s0 =	stileid.u32  }
0x2: {  	s5 =	rddreg [dreg:$0x0];
	s2 =	simm.s32 $0x0;
	s12 =	simm.s32 $0xA800  }
0x3: {  	s13 =	simm.s32 $0xE800;
	s14 =	simm.s32 $0x1;
	s7 =	smul.u32 $0x280000, s0  }
0x4: {  	s15 =	simm.s32 $0x2;
	s4 =	sand.u32 $0x1, s1;
	s11 =	smul.u32 $0x50000, s0  }
0x5: {  	s16 =	simm.s32 $0x0;
	s26 =	sshll.u32 s0, $0x1;
	s9 =	smul.u32 $0x140000, s4  }
0x6: {  	[smem:$0x7FF] =	sst s2;
	s1 =	sor.u32 s4, s26;
	s29 =	smul.u32 $0x28000, s4  }
0x7: {  	s10 =	sadd.s32 $0x7AC000, s5;
	s8 =	ssub.s32 $0x2, s4;
	s3 =	smul.u32 $0x2800, s1  }
0x8: {  	s1 =	rddreg [dreg:$0x1];
	_ =	strace $0x80000047;
	s28 =	sshrl.u32 s8, $0x1  }
0x9: {  	s31 =	sadd.s32 s11, s10;
	s11 =	simm.s32 $0x6800;
	s7 =	sadd.s32 s9, s7  }
0xa: {  	s9 =	simm.s32 $0x80;
	s3 =	sshrl.u32 s3, $0x3;
	s30 =	sshrl.u32 s7, $0x3  }
0xb: {  	s7 =	sadd.s32 s29, s31;
	s6 =	sadd.s32 s3, s5;
	s3 =	sadd.s32 $0xAE00, s5  }
0xc: {  	s5 =	ssub.s32 s8, s28;
	s8 =	simm.s32 $0x3;
	s4 =	sadd.s32 $0xE00, s6  }
0xd: {  	s5 =	smax.u32 s5, $0x1;
	s6 =	sadd.s32 s30, s10;
	s10 =	simm.s32 $0x2800  }
.LBB2_1:
0xe: {  	[tilespmem:s2], [sflag:$0x3] =	stream.linear.gather [hbm4b:s4+s2], $0x2800, $0x38;
	[tilespmem:$0x12800] =	vst v63  }
0xf: {  	_ =	swait.ge [sflag:s8], $0x2800  }
0x10: {  	[sflag:s8] =	ssyncset.done $0x0  }
0x11: {  	[sflag:s8] =	ssyncadd.s32 $0xFFFFD800  }
0x12: {  	[tilespmem:s10], [sflag:$0x1] =	stream.indirect.gather [hbm4b:s3+s9], $0x80, s2, s9, $0xb8;
	[tilespmem:$0x12800] =	vst v63  }
0x13: {  	s17 =	simm.s32 $0x80  }
0x14: {  	[tilespmem:s11], [sflag:$0x1] =	stream.indirect.gather [hbm4b:s3+s9], $0x80, s17, s9, $0xb8;
	[tilespmem:$0x12800] =	vst v63  }
0x15: {  	s26 =	simm.s32 $0x100  }
0x16: {  	[tilespmem:s12], [sflag:$0x1] =	stream.indirect.gather [hbm4b:s3+s9], $0x80, s26, s9, $0xb8;
	[tilespmem:$0x12800] =	vst v63  }
0x17: {  	s28 =	simm.s32 $0x180  }
0x18: {  	[tilespmem:s13], [sflag:$0x1] =	stream.indirect.gather [hbm4b:s3+s9], $0x80, s28, s9, $0xb8;
	[tilespmem:$0x12800] =	vst v63  }
0x19: {  	_ =	swait.ge [sflag:s14], $0x4000  }
0x1a: {  	[sflag:s14] =	ssyncset.done $0x0  }
0x1b: {  	s29 =	sadd.s32 $0x0, s6;
	[sflag:s14] =	ssyncadd.s32 $0xFFFFC000  }
0x1c: {  	[hbm4b:s29+s2] =	stream.linear.scatter [tilespmem:s10], [sflag:$0x2], $0x4000, $0x38;
	[tilespmem:$0x12800] =	vst v63  }
0x1d: {  	_ =	swait.ge [sflag:s14], $0x4000  }
0x1e: {  	s30 =	sadd.s32 $0x0, s7;
	[sflag:s14] =	ssyncset.done $0x0  }
0x1f: {  	s18 =	sadd.s32 $0x800, s30;
	[sflag:s14] =	ssyncadd.s32 $0xFFFFC000  }
0x20: {  	[hbm4b:s18+s2] =	stream.linear.scatter [tilespmem:s11], [sflag:$0x2], $0x4000, $0x38;
	[tilespmem:$0x12800] =	vst v63  }
0x21: {  	_ =	swait.ge [sflag:s14], $0x4000  }
0x22: {  	[sflag:s14] =	ssyncset.done $0x0  }
0x23: {  	s31 =	sadd.s32 $0x1000, s30;
	[sflag:s14] =	ssyncadd.s32 $0xFFFFC000  }
0x24: {  	[hbm4b:s31+s2] =	stream.linear.scatter [tilespmem:s12], [sflag:$0x2], $0x4000, $0x38;
	[tilespmem:$0x12800] =	vst v63  }
0x25: {  	_ =	swait.ge [sflag:s14], $0x4000  }
0x26: {  	[sflag:s14] =	ssyncset.done $0x0  }
0x27: {  	s17 =	sadd.s32 $0x1800, s30;
	[sflag:s14] =	ssyncadd.s32 $0xFFFFC000  }
0x28: {  	[hbm4b:s17+s2] =	stream.linear.scatter [tilespmem:s13], [sflag:$0x2], $0x4000, $0x38;
	[tilespmem:$0x12800] =	vst v63  }
0x29: {  	_ =	swait.ge [sflag:s15], $0x4000  }
0x2a: {  	[sflag:s15] =	ssyncset.done $0x0  }
0x2b: {  	[sflag:s15] =	ssyncadd.s32 $0xFFFFC000  }
0x2c: {  	_ =	swait.ge [sflag:s15], $0x4000  }
0x2d: {  	[sflag:s15] =	ssyncset.done $0x0  }
0x2e: {  	[sflag:s15] =	ssyncadd.s32 $0xFFFFC000  }
0x2f: {  	_ =	swait.ge [sflag:s15], $0x4000  }
0x30: {  	[sflag:s15] =	ssyncset.done $0x0  }
0x31: {  	[sflag:s15] =	ssyncadd.s32 $0xFFFFC000  }
0x32: {  	_ =	swait.ge [sflag:s15], $0x4000  }
0x33: {  	s18 =	simm.s32 $0x0;
	s17 =	simm.s32 $0x2000;
	[sflag:s15] =	ssyncset.done $0x0  }
.LBB2_2:
0x34: {  	p0 =	sne.s32 s17, $0x26000;
	[sflag:s15] =	ssyncadd.s32 $0xFFFFC000;
	s18 =	sadd.s32 $0x200, s18  }
0x35: {  	[tilespmem:s10], [sflag:$0x1] =	stream.indirect.gather [hbm4b:s3+s9], $0x80, s18, s9, $0xb8;
	[tilespmem:$0x12800] =	vst v63  }
0x36: {  	s20 =	smov.u32 s17;
	s17 =	sadd.s32 $0x2000, s17;
	s19 =	sadd.s32 $0x80, s18  }
0x37: {  	[tilespmem:s11], [sflag:$0x1] =	stream.indirect.gather [hbm4b:s3+s9], $0x80, s19, s9, $0xb8;
	[tilespmem:$0x12800] =	vst v63  }
0x38: {  	s19 =	sadd.s32 $0x100, s18  }
0x39: {  	[tilespmem:s12], [sflag:$0x1] =	stream.indirect.gather [hbm4b:s3+s9], $0x80, s19, s9, $0xb8;
	[tilespmem:$0x12800] =	vst v63  }
0x3a: {  	s19 =	sadd.s32 $0x180, s18  }
0x3b: {  	[tilespmem:s13], [sflag:$0x1] =	stream.indirect.gather [hbm4b:s3+s9], $0x80, s19, s9, $0xb8;
	[tilespmem:$0x12800] =	vst v63  }
0x3c: {  	_ =	swait.ge [sflag:s14], $0x4000  }
0x3d: {  	[sflag:s14] =	ssyncset.done $0x0  }
0x3e: {  	s19 =	sadd.s32 s20, s6;
	[sflag:s14] =	ssyncadd.s32 $0xFFFFC000  }
0x3f: {  	[hbm4b:s19+s2] =	stream.linear.scatter [tilespmem:s10], [sflag:$0x2], $0x4000, $0x38;
	[tilespmem:$0x12800] =	vst v63  }
0x40: {  	_ =	swait.ge [sflag:s14], $0x4000  }
0x41: {  	s19 =	sadd.s32 s20, s7;
	[sflag:s14] =	ssyncset.done $0x0  }
0x42: {  	s20 =	sadd.s32 $0x800, s19;
	[sflag:s14] =	ssyncadd.s32 $0xFFFFC000  }
0x43: {  	[hbm4b:s20+s2] =	stream.linear.scatter [tilespmem:s11], [sflag:$0x2], $0x4000, $0x38;
	[tilespmem:$0x12800] =	vst v63  }
0x44: {  	_ =	swait.ge [sflag:s14], $0x4000  }
0x45: {  	[sflag:s14] =	ssyncset.done $0x0  }
0x46: {  	s20 =	sadd.s32 $0x1000, s19;
	[sflag:s14] =	ssyncadd.s32 $0xFFFFC000  }
0x47: {  	[hbm4b:s20+s2] =	stream.linear.scatter [tilespmem:s12], [sflag:$0x2], $0x4000, $0x38;
	[tilespmem:$0x12800] =	vst v63  }
0x48: {  	_ =	swait.ge [sflag:s14], $0x4000  }
0x49: {  	[sflag:s14] =	ssyncset.done $0x0  }
0x4a: {  	s19 =	sadd.s32 $0x1800, s19;
	[sflag:s14] =	ssyncadd.s32 $0xFFFFC000  }
0x4b: {  	[hbm4b:s19+s2] =	stream.linear.scatter [tilespmem:s13], [sflag:$0x2], $0x4000, $0x38;
	[tilespmem:$0x12800] =	vst v63  }
0x4c: {  	_ =	swait.ge [sflag:s15], $0x4000  }
0x4d: {  	[sflag:s15] =	ssyncset.done $0x0  }
0x4e: {  	[sflag:s15] =	ssyncadd.s32 $0xFFFFC000  }
0x4f: {  	_ =	swait.ge [sflag:s15], $0x4000  }
0x50: {  	[sflag:s15] =	ssyncset.done $0x0  }
0x51: {  	[sflag:s15] =	ssyncadd.s32 $0xFFFFC000  }
.Ltmp0:
0x52: {  	_ =	swait.ge [sflag:s15], $0x4000;
	(pc) =	sbr.rel @p0 .LBB2_2-.Ltmp0, $4  }
0x53: {  	[sflag:s15] =	ssyncset.done $0x0  }
0x54: {  	[sflag:s15] =	ssyncadd.s32 $0xFFFFC000  }
0x55: {  	_ =	swait.ge [sflag:s15], $0x4000  }
0x56: {  	[sflag:s15] =	ssyncset.done $0x0  }
0x57: {  	s16 =	sadd.s32 $0x1, s16  }
0x58: {  	p0 =	sne.s32 s16, s5  }
.Ltmp1:
0x59: {  	_ = 	snop;
	(pc) =	sbr.rel @p0 .LBB2_1-.Ltmp1, $2  }
0x5a: {  	_ =	sdelay $0x2  }
0x5b: {  	[sflag:s15] =	ssyncadd.s32 $0xFFFFC000  }
0x5c: {  	_ =	sfence.sel $0x180000  }
0x5d: {  	[bflag:$0x0] =	sbarrier.arrive $0xFFFF  }
0x5e: {  	p0 =	sne.s32 s0, $0x0;
	_ =	strace $0x90000047  }
0x5f: {  	s0 =	sadd.s32 @!p0 $0x100000, s1;
	[bflag:$0x2] =	sbarrier.arrive $0xFFFF  }
0x60: {  	[sflag:s0] =	ssyncadd.tile.s32 @!p0 $0x1;
	_ =	shalt  }
.Lfunc_end2:
_tile_overlayer_lowered:
.L_overlay_start_2:
0x61: {  	(tag) =	ssettag $0x2  }
0x62: {  	s0 =	rddreg [dreg:$0x0];
	s2 =	stileid.u32  }
0x63: {  	s1 =	rddreg [dreg:$0x1];
	p0 =	sne.s32 s2, $0x0  }
0x64: {  	s3 =	rddreg [dreg:$0x2];
	[bflag:$0x3] =	sbarrier.arrive $0xFFFF;
	s2 =	simm.s32 @!p0 $0x1C03  }
0x65: {  	[timem:s3], [sflag:s2] =	dma.local @!p0 [hbm:s0], s1  }
0x66: {  	s0 =	simm.s32 @!p0 $0x3  }
0x67: {  	_ =	swait.ge @!p0 [sflag:s0], s1  }
0x68: {  	s1 =	ssub.s32 @!p0 $0x0, s1;
	[sflag:s0] =	ssyncset.done @!p0 $0x0  }
0x69: {  	[sflag:s0] =	ssyncadd.s32 @!p0 s1  }
0x6a: {  	[bflag:$0x3] =	sbarrier.arrive $0xFFFF  }
0x6b: {  	_ =	shalt  }

</sc_bundles>
